<compile_context>
chip_gen: v7x
topology: tpu7x:2x2x1
jax: 0.10.2.dev20260603
libtpu: 0.0.44.dev20260713+nightly
codegen_flags: <defaults>
</compile_context>

<pallas_src>
import jax
import jax.numpy as jnp
from jax.experimental import pallas as pl

_NUM_PRE = 900
_NUM_OUT = 64
_THRESH = 0.85
_EPS = 1e-5
_BLK = 2048


def _reg_head_body(xyzT_ref, feat_ref, claT_ref, W1_ref, scale_ref, shift_ref,
                   W2_ref, b2_ref, prop_ref, score_ref):
    x = feat_ref[0]
    h = jax.lax.dot_general(W1_ref[...], x, (((1,), (0,)), ((), ())),
                            precision=jax.lax.Precision.HIGHEST,
                            preferred_element_type=jnp.float32)
    h = h * scale_ref[...] + shift_ref[...]
    h = jnp.maximum(h, 0.0)
    off = jax.lax.dot_general(W2_ref[...], h, (((1,), (0,)), ((), ())),
                              precision=jax.lax.Precision.HIGHEST,
                              preferred_element_type=jnp.float32)
    off = off + b2_ref[...]
    vote = xyzT_ref[0] + off[0:3, :]
    prop_ref[0] = jnp.concatenate([vote, off[3:4, :]], axis=0)
    score_ref[0] = jax.nn.sigmoid(claT_ref[0])


def _nms_body(p4T_ref, boxes_ref, scores_ref, bb_ref, ss_ref):
    p = p4T_ref[0]
    cx = p[0:1, :]
    cz = p[2:3, :]
    w = boxes_ref[0, 0, 4]
    l = boxes_ref[0, 0, 5]
    x1 = cx - w / 2.0
    x2 = cx + w / 2.0
    z1 = cz - l / 2.0
    z2 = cz + l / 2.0
    area = (x2 - x1) * (z2 - z1)
    iota = jax.lax.broadcasted_iota(jnp.int32, (1, _NUM_PRE), 1)
    jrow = jax.lax.broadcasted_iota(jnp.int32, (_NUM_OUT, 1), 0)

    def cond(c):
        i, cnt, _, _ = c
        return jnp.logical_and(i < _NUM_PRE, cnt < _NUM_OUT)

    def body(c):
        i, cnt, sup, mt = c
        oh = iota == i
        x1i = jnp.sum(jnp.where(oh, x1, 0.0), keepdims=True)
        x2i = jnp.sum(jnp.where(oh, x2, 0.0), keepdims=True)
        z1i = jnp.sum(jnp.where(oh, z1, 0.0), keepdims=True)
        z2i = jnp.sum(jnp.where(oh, z2, 0.0), keepdims=True)
        ai = jnp.sum(jnp.where(oh, area, 0.0), keepdims=True)
        supi = jnp.sum(jnp.where(oh, sup, 0.0))
        alive = supi <= 0.5
        ix1 = jnp.maximum(x1i, x1)
        ix2 = jnp.minimum(x2i, x2)
        iz1 = jnp.maximum(z1i, z1)
        iz2 = jnp.minimum(z2i, z2)
        inter = jnp.maximum(ix2 - ix1, 0.0) * jnp.maximum(iz2 - iz1, 0.0)
        union = ai + area - inter
        iou = inter / jnp.maximum(union, 1e-8)
        hit = jnp.logical_and(iou > _THRESH, iota > i)
        cand = jnp.maximum(sup, jnp.where(hit, 1.0, 0.0))
        sup = jnp.where(alive, cand, sup)
        mt = jnp.where(jnp.logical_and(jnp.logical_and(jrow == cnt, oh), alive),
                       1.0, mt)
        cnt = cnt + jnp.where(alive, 1, 0)
        return (i + 1, cnt, sup, mt)

    init = (jnp.int32(0), jnp.int32(0),
            jnp.zeros((1, _NUM_PRE), jnp.float32),
            jnp.zeros((_NUM_OUT, _NUM_PRE), jnp.float32))
    _, _, _, mt = jax.lax.while_loop(cond, body, init)

    bb_ref[0] = jax.lax.dot_general(mt, boxes_ref[0], (((1,), (0,)), ((), ())),
                                    precision=jax.lax.Precision.HIGHEST,
                                    preferred_element_type=jnp.float32)
    ss_ref[0] = jax.lax.dot_general(mt, scores_ref[0], (((1,), (0,)), ((), ())),
                                    precision=jax.lax.Precision.HIGHEST,
                                    preferred_element_type=jnp.float32)


def kernel(search_xyz, search_feature, estimation_cla, template_box,
           W1, bn_gamma, bn_beta, bn_mean, bn_var, W2, b2):
    B, C, N = search_feature.shape
    nb = (N + _BLK - 1) // _BLK

    scale = (bn_gamma / jnp.sqrt(bn_var + _EPS))[:, None]
    shift = (bn_beta - bn_mean * (bn_gamma / jnp.sqrt(bn_var + _EPS)))[:, None]
    xyzT = jnp.transpose(search_xyz, (0, 2, 1))
    claT = jnp.transpose(estimation_cla, (0, 2, 1))

    prop4T, scores = pl.pallas_call(
        _reg_head_body,
        grid=(B, nb),
        in_specs=[
            pl.BlockSpec((1, 3, _BLK), lambda b, n: (b, 0, n)),
            pl.BlockSpec((1, C, _BLK), lambda b, n: (b, 0, n)),
            pl.BlockSpec((1, 1, _BLK), lambda b, n: (b, 0, n)),
            pl.BlockSpec((128, C), lambda b, n: (0, 0)),
            pl.BlockSpec((128, 1), lambda b, n: (0, 0)),
            pl.BlockSpec((128, 1), lambda b, n: (0, 0)),
            pl.BlockSpec((4, 128), lambda b, n: (0, 0)),
            pl.BlockSpec((4, 1), lambda b, n: (0, 0)),
        ],
        out_specs=[
            pl.BlockSpec((1, 4, _BLK), lambda b, n: (b, 0, n)),
            pl.BlockSpec((1, 1, _BLK), lambda b, n: (b, 0, n)),
        ],
        out_shape=[
            jax.ShapeDtypeStruct((B, 4, N), jnp.float32),
            jax.ShapeDtypeStruct((B, 1, N), jnp.float32),
        ],
    )(xyzT, search_feature, claT, W1, scale, shift, W2, b2[:, None])

    prop4 = jnp.transpose(prop4T, (0, 2, 1))

    top_s, top_i = jax.lax.top_k(scores[:, 0, :], _NUM_PRE)
    p4o = jnp.take_along_axis(prop4, top_i[:, :, None], axis=1)
    dims = jnp.broadcast_to(template_box[:, :, 3:6], (B, _NUM_PRE, 3))
    boxes8 = jnp.concatenate(
        [p4o[:, :, 0:3], dims, p4o[:, :, 3:4],
         jnp.zeros((B, _NUM_PRE, 1), jnp.float32)], axis=2)
    p4oT = jnp.transpose(p4o, (0, 2, 1))

    bb8, ss = pl.pallas_call(
        _nms_body,
        grid=(B,),
        in_specs=[
            pl.BlockSpec((1, 4, _NUM_PRE), lambda b: (b, 0, 0)),
            pl.BlockSpec((1, _NUM_PRE, 8), lambda b: (b, 0, 0)),
            pl.BlockSpec((1, _NUM_PRE, 1), lambda b: (b, 0, 0)),
        ],
        out_specs=[
            pl.BlockSpec((1, _NUM_OUT, 8), lambda b: (b, 0, 0)),
            pl.BlockSpec((1, _NUM_OUT, 1), lambda b: (b, 0, 0)),
        ],
        out_shape=[
            jax.ShapeDtypeStruct((B, _NUM_OUT, 8), jnp.float32),
            jax.ShapeDtypeStruct((B, _NUM_OUT, 1), jnp.float32),
        ],
    )(p4oT, boxes8, top_s[:, :, None])

    ret_bbox3d = bb8[:, :, 0:7]
    ret_scores = ss[:, :, 0]
    center_xyzs = ret_bbox3d[:, :, 0:3]
    return (ret_bbox3d, ret_scores, prop4, center_xyzs)

# --- scband reference (transcript-rebuilt; emitter-appended) ---
"""Pipeline reference for scband-proposal-layer-7473243095571 (READ-ONLY COPY).

The authoritative reference and input builder live on the scoring server;
editing this copy changes nothing except your own understanding.
"""

import jax, jax.numpy as jnp
import numpy as np

B, N, C = 8, 20000, 256
NUM_PROPOSAL = 64
NUM_PROPOSAL_PRE = 900
NMS_THRESH = 0.85
BN_EPS = 1e-5


def setup_inputs(seed: int = 0):
    key = jax.random.key(seed)
    ks = jax.random.split(key, 8)
    return {
        'search_xyz': jax.random.normal(ks[0], (B, N, 3), jnp.float32) * 10.0,
        'search_feature': jax.random.normal(ks[1], (B, C, N), jnp.float32),
        'estimation_cla': jax.random.normal(ks[2], (B, N, 1), jnp.float32),
        'template_box': jax.random.uniform(ks[3], (B, 1, 7), jnp.float32, minval=0.5, maxval=4.0),
        'W1': jax.random.normal(ks[4], (128, C), jnp.float32) * 0.05,
        'bn_gamma': jnp.ones((128,), jnp.float32),
        'bn_beta': jnp.zeros((128,), jnp.float32),
        'bn_mean': jnp.zeros((128,), jnp.float32),
        'bn_var': jnp.ones((128,), jnp.float32),
        'W2': jax.random.normal(ks[5], (4, 128), jnp.float32) * 0.05,
        'b2': jnp.zeros((4,), jnp.float32),
    }


def _bev_iou(boxes):
    # boxes: [n, 7] = (x, y, z, h, w, l, ry); BEV IoU on the x-z plane
    cx = boxes[:, 0]
    cz = boxes[:, 2]
    w = boxes[:, 4]
    l = boxes[:, 5]
    x1 = cx - w / 2.0
    x2 = cx + w / 2.0
    z1 = cz - l / 2.0
    z2 = cz + l / 2.0
    ix1 = jnp.maximum(x1[:, None], x1[None, :])
    ix2 = jnp.minimum(x2[:, None], x2[None, :])
    iz1 = jnp.maximum(z1[:, None], z1[None, :])
    iz2 = jnp.minimum(z2[:, None], z2[None, :])
    inter = jnp.clip(ix2 - ix1, 0.0) * jnp.clip(iz2 - iz1, 0.0)
    area = (x2 - x1) * (z2 - z1)
    union = area[:, None] + area[None, :] - inter
    return inter / jnp.maximum(union, 1e-8)


def _nms_keep_mask(iou, thresh):
    n = iou.shape[0]
    idx = jnp.arange(n)

    def body(i, suppressed):
        sup_i = suppressed[i]
        cand = suppressed | ((iou[i] > thresh) & (idx > i))
        return jnp.where(sup_i, suppressed, cand)

    suppressed = jax.lax.fori_loop(0, n, body, jnp.zeros((n,), jnp.bool_))
    return jnp.logical_not(suppressed)


def _single(scores, proposals):
    # score_based_proposal for one sample
    order = jnp.argsort(-scores)
    scores_o = scores[order][:NUM_PROPOSAL_PRE]
    props_o = proposals[order][:NUM_PROPOSAL_PRE]
    iou = _bev_iou(props_o)
    keep = _nms_keep_mask(jax.lax.stop_gradient(iou), NMS_THRESH)
    # kept boxes first, preserving score order; zero-pad like the torch code
    keep_order = jnp.argsort(jnp.logical_not(keep).astype(jnp.int32))
    sel = keep_order[:NUM_PROPOSAL]
    valid = keep[sel]
    ret_scores = jnp.where(valid, scores_o[sel], 0.0)
    ret_bbox3d = jnp.where(valid[:, None], props_o[sel], 0.0)
    return ret_bbox3d, ret_scores


def reference(search_xyz, search_feature, estimation_cla, template_box,
              W1, bn_gamma, bn_beta, bn_mean, bn_var, W2, b2):
    b, c, n = search_feature.shape
    # reg head: conv1d(256->128, bn=True) -> relu -> dropout(eval=identity) -> conv1d(128->4)
    h = jnp.einsum('oc,bcn->bon', W1, search_feature)
    h = (h - bn_mean[None, :, None]) / jnp.sqrt(bn_var + BN_EPS)[None, :, None]
    h = h * bn_gamma[None, :, None] + bn_beta[None, :, None]
    h = jax.nn.relu(h)
    offset = jnp.einsum('oc,bcn->bon', W2, h) + b2[None, :, None]
    offset = jnp.transpose(offset, (0, 2, 1))  # [B, N, 4]
    vote_xyz = search_xyz + offset[:, :, 0:3]
    proposals = jnp.tile(template_box, (1, n, 1))  # [B, N, 7]
    proposals = proposals.at[:, :, 0:3].set(vote_xyz)
    proposals = proposals.at[:, :, 6].set(offset[:, :, 3])
    scores = jax.nn.sigmoid(estimation_cla)[..., 0]  # [B, N]
    ret_bbox3d, ret_scores = jax.vmap(_single)(scores, proposals)
    center_xyzs = ret_bbox3d[:, :, 0:3]
    return (ret_bbox3d, ret_scores, proposals[:, :, jnp.array([0, 1, 2, 6])], center_xyzs)

if __name__ == "__main__":
    import jax
    _d = setup_inputs()
    print(jax.jit(kernel)(*tuple(_d.values())))

</pallas_src>

<mosaic_0001>
module attributes {stable_mosaic.version = 14 : i64} {
  func.func @_reg_head_body(%arg0: i32, %arg1: i32, %arg2: memref<1x3x2048xf32, #tpu.memory_space<vmem>>, %arg3: memref<1x256x2048xf32, #tpu.memory_space<vmem>>, %arg4: memref<1x1x2048xf32, #tpu.memory_space<vmem>>, %arg5: memref<128x256xf32, #tpu.memory_space<vmem>>, %arg6: memref<128x1xf32, #tpu.memory_space<vmem>>, %arg7: memref<128x1xf32, #tpu.memory_space<vmem>>, %arg8: memref<4x128xf32, #tpu.memory_space<vmem>>, %arg9: memref<4x1xf32, #tpu.memory_space<vmem>>, %arg10: memref<1x4x2048xf32, #tpu.memory_space<vmem>>, %arg11: memref<1x1x2048xf32, #tpu.memory_space<vmem>>) attributes {dimension_semantics = [#tpu.dimension_semantics<arbitrary>, #tpu.dimension_semantics<arbitrary>], iteration_bounds = array<i64: 8, 10>, scalar_prefetch = 0 : i64, scratch_operands = 0 : i64, tpu.core_type = #tpu.core_type<tc>, window_params = [{transform_indices = @transform_0, window_bounds = array<i64: 1, 3, 2048>}, {transform_indices = @transform_1, window_bounds = array<i64: 1, 256, 2048>}, {transform_indices = @transform_2, window_bounds = array<i64: 1, 1, 2048>}, {pipeline_mode = #tpu.pipeline_mode<synchronous>, transform_indices = @transform_3, window_bounds = array<i64: 128, 256>}, {pipeline_mode = #tpu.pipeline_mode<synchronous>, transform_indices = @transform_4, window_bounds = array<i64: 128, 1>}, {pipeline_mode = #tpu.pipeline_mode<synchronous>, transform_indices = @transform_5, window_bounds = array<i64: 128, 1>}, {pipeline_mode = #tpu.pipeline_mode<synchronous>, transform_indices = @transform_6, window_bounds = array<i64: 4, 128>}, {pipeline_mode = #tpu.pipeline_mode<synchronous>, transform_indices = @transform_7, window_bounds = array<i64: 4, 1>}, {transform_indices = @transform_8, window_bounds = array<i64: 1, 4, 2048>}, {transform_indices = @transform_9, window_bounds = array<i64: 1, 1, 2048>}]} {
    %get3A = arith.constant 0 : index
    %get3A_0 = arith.constant 0 : index
    %get3A_1 = arith.constant 0 : index
    %get3A_2 = vector.load %arg3[%get3A, %get3A_0, %get3A_1] : memref<1x256x2048xf32, #tpu.memory_space<vmem>>, vector<1x256x2048xf32>
    %get3A_3 = vector.shape_cast %get3A_2 : vector<1x256x2048xf32> to vector<256x2048xf32>
    %get3A_4 = arith.constant 0 : index
    %get3A_5 = arith.constant 0 : index
    %get3A_6 = vector.load %arg5[%get3A_4, %get3A_5] : memref<128x256xf32, #tpu.memory_space<vmem>>, vector<128x256xf32>
    %dot_general3A = arith.constant dense<0.000000e+00> : vector<128x2048xf32>
    %dot_general3A_7 = tpu.matmul %get3A_6, %get3A_3, %dot_general3A {dimension_numbers = #tpu.dot_dimension_numbers<[1], [0], [0], [1], [0, 0, 1, 1], [], []>, precision = #tpu.contract_precision<fp32>, transpose_lhs_hint = false} : vector<128x256xf32>, vector<256x2048xf32>, vector<128x2048xf32> -> vector<128x2048xf32>
    %get3A_8 = arith.constant 0 : index
    %get3A_9 = arith.constant 0 : index
    %get3A_10 = vector.load %arg6[%get3A_8, %get3A_9] : memref<128x1xf32, #tpu.memory_space<vmem>>, vector<128x1xf32>
    %mul3A = vector.broadcast %get3A_10 : vector<128x1xf32> to vector<128x2048xf32>
    %mul3A_11 = arith.mulf %dot_general3A_7, %mul3A : vector<128x2048xf32>
    %get3A_12 = arith.constant 0 : index
    %get3A_13 = arith.constant 0 : index
    %get3A_14 = vector.load %arg7[%get3A_12, %get3A_13] : memref<128x1xf32, #tpu.memory_space<vmem>>, vector<128x1xf32>
    %add3A = vector.broadcast %get3A_14 : vector<128x1xf32> to vector<128x2048xf32>
    %add3A_15 = arith.addf %mul3A_11, %add3A : vector<128x2048xf32>
    %max3A = arith.constant 0.000000e+00 : f32
    %max3A_16 = vector.broadcast %max3A : f32 to vector<128x2048xf32>
    %max3A_17 = arith.maximumf %add3A_15, %max3A_16 : vector<128x2048xf32>
    %get3A_18 = arith.constant 0 : index
    %get3A_19 = arith.constant 0 : index
    %get3A_20 = vector.load %arg8[%get3A_18, %get3A_19] : memref<4x128xf32, #tpu.memory_space<vmem>>, vector<4x128xf32>
    %dot_general3A_21 = arith.constant dense<0.000000e+00> : vector<4x2048xf32>
    %dot_general3A_22 = tpu.matmul %get3A_20, %max3A_17, %dot_general3A_21 {dimension_numbers = #tpu.dot_dimension_numbers<[1], [0], [0], [1], [0, 0, 1, 1], [], []>, precision = #tpu.contract_precision<fp32>, transpose_lhs_hint = false} : vector<4x128xf32>, vector<128x2048xf32>, vector<4x2048xf32> -> vector<4x2048xf32>
    %get3A_23 = arith.constant 0 : index
    %get3A_24 = arith.constant 0 : index
    %get3A_25 = vector.load %arg9[%get3A_23, %get3A_24] : memref<4x1xf32, #tpu.memory_space<vmem>>, vector<4x1xf32>
    %add3A_26 = vector.broadcast %get3A_25 : vector<4x1xf32> to vector<4x2048xf32>
    %add3A_27 = arith.addf %dot_general3A_22, %add3A_26 : vector<4x2048xf32>
    %get3A_28 = arith.constant 0 : index
    %get3A_29 = arith.constant 0 : index
    %get3A_30 = arith.constant 0 : index
    %get3A_31 = vector.load %arg2[%get3A_28, %get3A_29, %get3A_30] : memref<1x3x2048xf32, #tpu.memory_space<vmem>>, vector<1x3x2048xf32>
    %get3A_32 = vector.shape_cast %get3A_31 : vector<1x3x2048xf32> to vector<3x2048xf32>
    %slice3A = vector.extract_strided_slice %add3A_27 {offsets = [0, 0], sizes = [3, 2048], strides = [1, 1]} : vector<4x2048xf32> to vector<3x2048xf32>
    %add3A_33 = arith.addf %get3A_32, %slice3A : vector<3x2048xf32>
    %slice3A_34 = vector.extract_strided_slice %add3A_27 {offsets = [3, 0], sizes = [1, 2048], strides = [1, 1]} : vector<4x2048xf32> to vector<1x2048xf32>
    %concatenate3A = tpu.concatenate %add3A_33, %slice3A_34 in 0 : vector<3x2048xf32>, vector<1x2048xf32> -> vector<4x2048xf32>
    %swap3A = arith.constant 0 : index
    %swap3A_35 = arith.constant 0 : index
    %swap3A_36 = arith.constant 0 : index
    %swap3A_37 = vector.load %arg10[%swap3A, %swap3A_35, %swap3A_36] : memref<1x4x2048xf32, #tpu.memory_space<vmem>>, vector<1x4x2048xf32>
    %swap3A_38 = vector.shape_cast %swap3A_37 : vector<1x4x2048xf32> to vector<4x2048xf32>
    %swap3A_39 = vector.shape_cast %concatenate3A : vector<4x2048xf32> to vector<1x4x2048xf32>
    tpu.vector_store %arg10[%swap3A, %swap3A_35, %swap3A_36], %swap3A_39 {strides = array<i32>} : memref<1x4x2048xf32, #tpu.memory_space<vmem>>, vector<1x4x2048xf32>,
    %get3A_40 = arith.constant 0 : index
    %get3A_41 = arith.constant 0 : index
    %get3A_42 = arith.constant 0 : index
    %get3A_43 = vector.load %arg4[%get3A_40, %get3A_41, %get3A_42] : memref<1x1x2048xf32, #tpu.memory_space<vmem>>, vector<1x1x2048xf32>
    %get3A_44 = vector.shape_cast %get3A_43 : vector<1x1x2048xf32> to vector<1x2048xf32>
    %logistic3A = arith.negf %get3A_44 : vector<1x2048xf32>
    %logistic3A_45 = math.exp %logistic3A : vector<1x2048xf32>
    %logistic3A_46 = arith.constant 1.000000e+00 : f32
    %logistic3A_47 = vector.broadcast %logistic3A_46 : f32 to vector<1x2048xf32>
    %logistic3A_48 = arith.addf %logistic3A_47, %logistic3A_45 : vector<1x2048xf32>
    %logistic3A_49 = arith.divf %logistic3A_47, %logistic3A_48 : vector<1x2048xf32>
    %swap3A_50 = arith.constant 0 : index
    %swap3A_51 = arith.constant 0 : index
    %swap3A_52 = arith.constant 0 : index
    %swap3A_53 = vector.load %arg11[%swap3A_50, %swap3A_51, %swap3A_52] : memref<1x1x2048xf32, #tpu.memory_space<vmem>>, vector<1x1x2048xf32>
    %swap3A_54 = vector.shape_cast %swap3A_53 : vector<1x1x2048xf32> to vector<1x2048xf32>
    %swap3A_55 = vector.shape_cast %logistic3A_49 : vector<1x2048xf32> to vector<1x1x2048xf32>
    tpu.vector_store %arg11[%swap3A_50, %swap3A_51, %swap3A_52], %swap3A_55 {strides = array<i32>} : memref<1x1x2048xf32, #tpu.memory_space<vmem>>, vector<1x1x2048xf32>,
    return
  }
  func.func @transform_0(%arg0: i32, %arg1: i32) -> (i32, i32, i32) {
    %c0_i32 = arith.constant 0 : i32
    %c0_i32_0 = arith.constant 0 : i32
    return %arg0, %c0_i32, %arg1 : i32, i32, i32
  }
  func.func @transform_1(%arg0: i32, %arg1: i32) -> (i32, i32, i32) {
    %c0_i32 = arith.constant 0 : i32
    %c0_i32_0 = arith.constant 0 : i32
    return %arg0, %c0_i32, %arg1 : i32, i32, i32
  }
  func.func @transform_2(%arg0: i32, %arg1: i32) -> (i32, i32, i32) {
    %c0_i32 = arith.constant 0 : i32
    %c0_i32_0 = arith.constant 0 : i32
    return %arg0, %c0_i32, %arg1 : i32, i32, i32
  }
  func.func @transform_3(%arg0: i32, %arg1: i32) -> (i32, i32) {
    %c0_i32 = arith.constant 0 : i32
    %c0_i32_0 = arith.constant 0 : i32
    %c0_i32_1 = arith.constant 0 : i32
    return %c0_i32, %c0_i32_0 : i32, i32
  }
  func.func @transform_4(%arg0: i32, %arg1: i32) -> (i32, i32) {
    %c0_i32 = arith.constant 0 : i32
    %c0_i32_0 = arith.constant 0 : i32
    %c0_i32_1 = arith.constant 0 : i32
    return %c0_i32, %c0_i32_0 : i32, i32
  }
  func.func @transform_5(%arg0: i32, %arg1: i32) -> (i32, i32) {
    %c0_i32 = arith.constant 0 : i32
    %c0_i32_0 = arith.constant 0 : i32
    %c0_i32_1 = arith.constant 0 : i32
    return %c0_i32, %c0_i32_0 : i32, i32
  }
  func.func @transform_6(%arg0: i32, %arg1: i32) -> (i32, i32) {
    %c0_i32 = arith.constant 0 : i32
    %c0_i32_0 = arith.constant 0 : i32
    %c0_i32_1 = arith.constant 0 : i32
    return %c0_i32, %c0_i32_0 : i32, i32
  }
  func.func @transform_7(%arg0: i32, %arg1: i32) -> (i32, i32) {
    %c0_i32 = arith.constant 0 : i32
    %c0_i32_0 = arith.constant 0 : i32
    %c0_i32_1 = arith.constant 0 : i32
    return %c0_i32, %c0_i32_0 : i32, i32
  }
  func.func @transform_8(%arg0: i32, %arg1: i32) -> (i32, i32, i32) {
    %c0_i32 = arith.constant 0 : i32
    %c0_i32_0 = arith.constant 0 : i32
    return %arg0, %c0_i32, %arg1 : i32, i32, i32
  }
  func.func @transform_9(%arg0: i32, %arg1: i32) -> (i32, i32, i32) {
    %c0_i32 = arith.constant 0 : i32
    %c0_i32_0 = arith.constant 0 : i32
    return %arg0, %c0_i32, %arg1 : i32, i32, i32
  }
}

module attributes {stable_mosaic.version = 14 : i64} {
  func.func @_nms_body(%arg0: i32, %arg1: memref<1x4x900xf32, #tpu.memory_space<vmem>>, %arg2: memref<1x900x8xf32, #tpu.memory_space<vmem>>, %arg3: memref<1x900x1xf32, #tpu.memory_space<vmem>>, %arg4: memref<1x64x8xf32, #tpu.memory_space<vmem>>, %arg5: memref<1x64x1xf32, #tpu.memory_space<vmem>>) attributes {dimension_semantics = [#tpu.dimension_semantics<arbitrary>], iteration_bounds = array<i64: 8>, scalar_prefetch = 0 : i64, scratch_operands = 0 : i64, tpu.core_type = #tpu.core_type<tc>, window_params = [{transform_indices = @transform_0, window_bounds = array<i64: 1, 4, 900>}, {transform_indices = @transform_1, window_bounds = array<i64: 1, 900, 8>}, {transform_indices = @transform_2, window_bounds = array<i64: 1, 900, 1>}, {transform_indices = @transform_3, window_bounds = array<i64: 1, 64, 8>}, {transform_indices = @transform_4, window_bounds = array<i64: 1, 64, 1>}]} {
    %get3A = arith.constant 0 : index
    %get3A_0 = arith.constant 0 : index
    %get3A_1 = arith.constant 0 : index
    %get3A_2 = vector.load %arg1[%get3A, %get3A_0, %get3A_1] : memref<1x4x900xf32, #tpu.memory_space<vmem>>, vector<1x4x900xf32>
    %get3A_3 = vector.shape_cast %get3A_2 : vector<1x4x900xf32> to vector<4x900xf32>
    %slice3A = vector.extract_strided_slice %get3A_3 {offsets = [0, 0], sizes = [1, 900], strides = [1, 1]} : vector<4x900xf32> to vector<1x900xf32>
    %slice3A_4 = vector.extract_strided_slice %get3A_3 {offsets = [2, 0], sizes = [1, 900], strides = [1, 1]} : vector<4x900xf32> to vector<1x900xf32>
    %get3A_5 = arith.constant 0 : index
    %get3A_6 = arith.constant 0 : index
    %get3A_7 = arith.constant 4 : index
    %get3A_8 = vector.load %arg2[%get3A_5, %get3A_6, %get3A_7] : memref<1x900x8xf32, #tpu.memory_space<vmem>>, vector<1x1x1xf32>
    %get3A_9 = vector.extract %get3A_8[0, 0, 0] : f32 from vector<1x1x1xf32>
    %get3A_10 = arith.constant 0 : index
    %get3A_11 = arith.constant 0 : index
    %get3A_12 = arith.constant 5 : index
    %get3A_13 = vector.load %arg2[%get3A_10, %get3A_11, %get3A_12] : memref<1x900x8xf32, #tpu.memory_space<vmem>>, vector<1x1x1xf32>
    %get3A_14 = vector.extract %get3A_13[0, 0, 0] : f32 from vector<1x1x1xf32>
    %div3A = arith.constant 2.000000e+00 : f32
    %div3A_15 = arith.divf %get3A_9, %div3A : f32
    %sub3A = vector.broadcast %div3A_15 : f32 to vector<1x900xf32>
    %sub3A_16 = arith.subf %slice3A, %sub3A : vector<1x900xf32>
    %div3A_17 = arith.constant 2.000000e+00 : f32
    %div3A_18 = arith.divf %get3A_9, %div3A_17 : f32
    %add3A = vector.broadcast %div3A_18 : f32 to vector<1x900xf32>
    %add3A_19 = arith.addf %slice3A, %add3A : vector<1x900xf32>
    %div3A_20 = arith.constant 2.000000e+00 : f32
    %div3A_21 = arith.divf %get3A_14, %div3A_20 : f32
    %sub3A_22 = vector.broadcast %div3A_21 : f32 to vector<1x900xf32>
    %sub3A_23 = arith.subf %slice3A_4, %sub3A_22 : vector<1x900xf32>
    %div3A_24 = arith.constant 2.000000e+00 : f32
    %div3A_25 = arith.divf %get3A_14, %div3A_24 : f32
    %add3A_26 = vector.broadcast %div3A_25 : f32 to vector<1x900xf32>
    %add3A_27 = arith.addf %slice3A_4, %add3A_26 : vector<1x900xf32>
    %sub3A_28 = arith.subf %add3A_19, %sub3A_16 : vector<1x900xf32>
    %sub3A_29 = arith.subf %add3A_27, %sub3A_23 : vector<1x900xf32>
    %mul3A = arith.mulf %sub3A_28, %sub3A_29 : vector<1x900xf32>
    %iota3A = tpu.iota {dimensions = array<i32: 1>} : vector<1x900xi32>
    %iota3A_30 = tpu.iota {dimensions = array<i32: 0>} : vector<64x1xi32>
    %broadcast_in_dim3A = arith.constant 0.000000e+00 : f32
    %broadcast_in_dim3A_31 = vector.broadcast %broadcast_in_dim3A : f32 to vector<1x900xf32>
    %broadcast_in_dim3A_32 = arith.constant 0.000000e+00 : f32
    %broadcast_in_dim3A_33 = vector.broadcast %broadcast_in_dim3A_32 : f32 to vector<64x900xf32>
    %while3A = arith.constant 0 : i32
    %while3A_34 = arith.constant 0 : i32
    %while3A_35:4 = scf.while (%while3A_60 = %while3A, %while3A_61 = %while3A_34, %while3A_62 = %broadcast_in_dim3A_31, %while3A_63 = %broadcast_in_dim3A_33) : (i32, i32, vector<1x900xf32>, vector<64x900xf32>) -> (i32, i32, vector<1x900xf32>, vector<64x900xf32>) {
      %lt3A = arith.constant 900 : i32
      %lt3A_64 = arith.cmpi slt, %while3A_60, %lt3A : i32
      %lt3A_65 = arith.constant 64 : i32
      %lt3A_66 = arith.cmpi slt, %while3A_61, %lt3A_65 : i32
      %and3A = arith.andi %lt3A_64, %lt3A_66 : i1
      scf.condition(%and3A) %while3A_60, %while3A_61, %while3A_62, %while3A_63 : i32, i32, vector<1x900xf32>, vector<64x900xf32>
    } do {
    ^bb0(%while3A_60: i32, %while3A_61: i32, %while3A_62: vector<1x900xf32>, %while3A_63: vector<64x900xf32>):
      %eq3A = vector.broadcast %while3A_60 : i32 to vector<1x900xi32>
      %eq3A_64 = arith.cmpi eq, %iota3A, %eq3A : vector<1x900xi32>
      %jit3A = arith.constant 0.000000e+00 : f32
      %broadcast_in_dim3A_65 = vector.broadcast %jit3A : f32 to vector<1x900xf32>
      %select_n3A = arith.select %eq3A_64, %sub3A_16, %broadcast_in_dim3A_65 : vector<1x900xi1>, vector<1x900xf32>
      %reduce_sum3A = vector.shape_cast %select_n3A : vector<1x900xf32> to vector<1x1x900xf32>
      %reduce_sum3A_66 = arith.constant dense<0.000000e+00> : vector<1xf32>
      %reduce_sum3A_67 = vector.multi_reduction <add>, %reduce_sum3A, %reduce_sum3A_66 [1, 2] : vector<1x1x900xf32> to vector<1xf32>
      %reduce_sum3A_68 = vector.shape_cast %reduce_sum3A_67 : vector<1xf32> to vector<1x1x1xf32>
      %reduce_sum3A_69 = vector.extract %reduce_sum3A_68[0, 0, 0] : f32 from vector<1x1x1xf32>
      %broadcast_in_dim3A_70 = vector.broadcast %reduce_sum3A_69 : f32 to vector<1x1xf32>
      %jit3A_71 = arith.constant 0.000000e+00 : f32
      %broadcast_in_dim3A_72 = vector.broadcast %jit3A_71 : f32 to vector<1x900xf32>
      %select_n3A_73 = arith.select %eq3A_64, %add3A_19, %broadcast_in_dim3A_72 : vector<1x900xi1>, vector<1x900xf32>
      %reduce_sum3A_74 = vector.shape_cast %select_n3A_73 : vector<1x900xf32> to vector<1x1x900xf32>
      %reduce_sum3A_75 = arith.constant dense<0.000000e+00> : vector<1xf32>
      %reduce_sum3A_76 = vector.multi_reduction <add>, %reduce_sum3A_74, %reduce_sum3A_75 [1, 2] : vector<1x1x900xf32> to vector<1xf32>
      %reduce_sum3A_77 = vector.shape_cast %reduce_sum3A_76 : vector<1xf32> to vector<1x1x1xf32>
      %reduce_sum3A_78 = vector.extract %reduce_sum3A_77[0, 0, 0] : f32 from vector<1x1x1xf32>
      %broadcast_in_dim3A_79 = vector.broadcast %reduce_sum3A_78 : f32 to vector<1x1xf32>
      %jit3A_80 = arith.constant 0.000000e+00 : f32
      %broadcast_in_dim3A_81 = vector.broadcast %jit3A_80 : f32 to vector<1x900xf32>
      %select_n3A_82 = arith.select %eq3A_64, %sub3A_23, %broadcast_in_dim3A_81 : vector<1x900xi1>, vector<1x900xf32>
      %reduce_sum3A_83 = vector.shape_cast %select_n3A_82 : vector<1x900xf32> to vector<1x1x900xf32>
      %reduce_sum3A_84 = arith.constant dense<0.000000e+00> : vector<1xf32>
      %reduce_sum3A_85 = vector.multi_reduction <add>, %reduce_sum3A_83, %reduce_sum3A_84 [1, 2] : vector<1x1x900xf32> to vector<1xf32>
      %reduce_sum3A_86 = vector.shape_cast %reduce_sum3A_85 : vector<1xf32> to vector<1x1x1xf32>
      %reduce_sum3A_87 = vector.extract %reduce_sum3A_86[0, 0, 0] : f32 from vector<1x1x1xf32>
      %broadcast_in_dim3A_88 = vector.broadcast %reduce_sum3A_87 : f32 to vector<1x1xf32>
      %jit3A_89 = arith.constant 0.000000e+00 : f32
      %broadcast_in_dim3A_90 = vector.broadcast %jit3A_89 : f32 to vector<1x900xf32>
      %select_n3A_91 = arith.select %eq3A_64, %add3A_27, %broadcast_in_dim3A_90 : vector<1x900xi1>, vector<1x900xf32>
      %reduce_sum3A_92 = vector.shape_cast %select_n3A_91 : vector<1x900xf32> to vector<1x1x900xf32>
      %reduce_sum3A_93 = arith.constant dense<0.000000e+00> : vector<1xf32>
      %reduce_sum3A_94 = vector.multi_reduction <add>, %reduce_sum3A_92, %reduce_sum3A_93 [1, 2] : vector<1x1x900xf32> to vector<1xf32>
      %reduce_sum3A_95 = vector.shape_cast %reduce_sum3A_94 : vector<1xf32> to vector<1x1x1xf32>
      %reduce_sum3A_96 = vector.extract %reduce_sum3A_95[0, 0, 0] : f32 from vector<1x1x1xf32>
      %broadcast_in_dim3A_97 = vector.broadcast %reduce_sum3A_96 : f32 to vector<1x1xf32>
      %jit3A_98 = arith.constant 0.000000e+00 : f32
      %broadcast_in_dim3A_99 = vector.broadcast %jit3A_98 : f32 to vector<1x900xf32>
      %select_n3A_100 = arith.select %eq3A_64, %mul3A, %broadcast_in_dim3A_99 : vector<1x900xi1>, vector<1x900xf32>
      %reduce_sum3A_101 = vector.shape_cast %select_n3A_100 : vector<1x900xf32> to vector<1x1x900xf32>
      %reduce_sum3A_102 = arith.constant dense<0.000000e+00> : vector<1xf32>
      %reduce_sum3A_103 = vector.multi_reduction <add>, %reduce_sum3A_101, %reduce_sum3A_102 [1, 2] : vector<1x1x900xf32> to vector<1xf32>
      %reduce_sum3A_104 = vector.shape_cast %reduce_sum3A_103 : vector<1xf32> to vector<1x1x1xf32>
      %reduce_sum3A_105 = vector.extract %reduce_sum3A_104[0, 0, 0] : f32 from vector<1x1x1xf32>
      %broadcast_in_dim3A_106 = vector.broadcast %reduce_sum3A_105 : f32 to vector<1x1xf32>
      %jit3A_107 = arith.constant 0.000000e+00 : f32
      %broadcast_in_dim3A_108 = vector.broadcast %jit3A_107 : f32 to vector<1x900xf32>
      %select_n3A_109 = arith.select %eq3A_64, %while3A_62, %broadcast_in_dim3A_108 : vector<1x900xi1>, vector<1x900xf32>
      %reduce_sum3A_110 = vector.shape_cast %select_n3A_109 : vector<1x900xf32> to vector<1x1x900xf32>
      %reduce_sum3A_111 = arith.constant dense<0.000000e+00> : vector<1xf32>
      %reduce_sum3A_112 = vector.multi_reduction <add>, %reduce_sum3A_110, %reduce_sum3A_111 [1, 2] : vector<1x1x900xf32> to vector<1xf32>
      %reduce_sum3A_113 = vector.shape_cast %reduce_sum3A_112 : vector<1xf32> to vector<1x1x1xf32>
      %reduce_sum3A_114 = vector.extract %reduce_sum3A_113[0, 0, 0] : f32 from vector<1x1x1xf32>
      %le3A = arith.constant 5.000000e-01 : f32
      %le3A_115 = arith.cmpf ole, %reduce_sum3A_114, %le3A : f32
      %max3A = vector.broadcast %broadcast_in_dim3A_70 : vector<1x1xf32> to vector<1x900xf32>
      %max3A_116 = arith.maximumf %max3A, %sub3A_16 : vector<1x900xf32>
      %min3A = vector.broadcast %broadcast_in_dim3A_79 : vector<1x1xf32> to vector<1x900xf32>
      %min3A_117 = arith.minimumf %min3A, %add3A_19 : vector<1x900xf32>
      %max3A_118 = vector.broadcast %broadcast_in_dim3A_88 : vector<1x1xf32> to vector<1x900xf32>
      %max3A_119 = arith.maximumf %max3A_118, %sub3A_23 : vector<1x900xf32>
      %min3A_120 = vector.broadcast %broadcast_in_dim3A_97 : vector<1x1xf32> to vector<1x900xf32>
      %min3A_121 = arith.minimumf %min3A_120, %add3A_27 : vector<1x900xf32>
      %sub3A_122 = arith.subf %min3A_117, %max3A_116 : vector<1x900xf32>
      %max3A_123 = arith.constant 0.000000e+00 : f32
      %max3A_124 = vector.broadcast %max3A_123 : f32 to vector<1x900xf32>
      %max3A_125 = arith.maximumf %sub3A_122, %max3A_124 : vector<1x900xf32>
      %sub3A_126 = arith.subf %min3A_121, %max3A_119 : vector<1x900xf32>
      %max3A_127 = arith.constant 0.000000e+00 : f32
      %max3A_128 = vector.broadcast %max3A_127 : f32 to vector<1x900xf32>
      %max3A_129 = arith.maximumf %sub3A_126, %max3A_128 : vector<1x900xf32>
      %mul3A_130 = arith.mulf %max3A_125, %max3A_129 : vector<1x900xf32>
      %add3A_131 = vector.broadcast %broadcast_in_dim3A_106 : vector<1x1xf32> to vector<1x900xf32>
      %add3A_132 = arith.addf %add3A_131, %mul3A : vector<1x900xf32>
      %sub3A_133 = arith.subf %add3A_132, %mul3A_130 : vector<1x900xf32>
      %max3A_134 = arith.constant 9.99999993E-9 : f32
      %max3A_135 = vector.broadcast %max3A_134 : f32 to vector<1x900xf32>
      %max3A_136 = arith.maximumf %sub3A_133, %max3A_135 : vector<1x900xf32>
      %div3A_137 = arith.divf %mul3A_130, %max3A_136 : vector<1x900xf32>
      %gt3A = arith.constant 8.500000e-01 : f32
      %gt3A_138 = vector.broadcast %gt3A : f32 to vector<1x900xf32>
      %gt3A_139 = arith.cmpf ogt, %div3A_137, %gt3A_138 : vector<1x900xf32>
      %gt3A_140 = vector.broadcast %while3A_60 : i32 to vector<1x900xi32>
      %gt3A_141 = arith.cmpi sgt, %iota3A, %gt3A_140 : vector<1x900xi32>
      %and3A = arith.andi %gt3A_139, %gt3A_141 : vector<1x900xi1>
      %jit3A_142 = arith.constant 1.000000e+00 : f32
      %jit3A_143 = arith.constant 0.000000e+00 : f32
      %broadcast_in_dim3A_144 = vector.broadcast %jit3A_142 : f32 to vector<1x900xf32>
      %broadcast_in_dim3A_145 = vector.broadcast %jit3A_143 : f32 to vector<1x900xf32>
      %select_n3A_146 = arith.select %and3A, %broadcast_in_dim3A_144, %broadcast_in_dim3A_145 : vector<1x900xi1>, vector<1x900xf32>
      %max3A_147 = arith.maximumf %while3A_62, %select_n3A_146 : vector<1x900xf32>
      %select_n3A_148 = arith.select %le3A_115, %max3A_147, %while3A_62 : vector<1x900xf32>
      %eq3A_149 = vector.broadcast %while3A_61 : i32 to vector<64x1xi32>
      %eq3A_150 = arith.cmpi eq, %iota3A_30, %eq3A_149 : vector<64x1xi32>
      %and3A_151 = vector.broadcast %eq3A_150 : vector<64x1xi1> to vector<64x900xi1>
      %and3A_152 = vector.broadcast %eq3A_64 : vector<1x900xi1> to vector<64x900xi1>
      %and3A_153 = arith.andi %and3A_151, %and3A_152 : vector<64x900xi1>
      %and3A_154 = vector.broadcast %le3A_115 : i1 to vector<64x900xi1>
      %and3A_155 = arith.andi %and3A_153, %and3A_154 : vector<64x900xi1>
      %jit3A_156 = arith.constant 1.000000e+00 : f32
      %broadcast_in_dim3A_157 = vector.broadcast %jit3A_156 : f32 to vector<64x900xf32>
      %select_n3A_158 = arith.select %and3A_155, %broadcast_in_dim3A_157, %while3A_63 : vector<64x900xi1>, vector<64x900xf32>
      %jit3A_159 = arith.constant 1 : i32
      %jit3A_160 = arith.constant 0 : i32
      %select_n3A_161 = arith.select %le3A_115, %jit3A_159, %jit3A_160 : i32
      %add3A_162 = arith.addi %while3A_61, %select_n3A_161 : i32
      %add3A_163 = arith.constant 1 : i32
      %add3A_164 = arith.addi %while3A_60, %add3A_163 : i32
      scf.yield %add3A_164, %add3A_162, %select_n3A_148, %select_n3A_158 : i32, i32, vector<1x900xf32>, vector<64x900xf32>
    }
    %get3A_36 = arith.constant 0 : index
    %get3A_37 = arith.constant 0 : index
    %get3A_38 = arith.constant 0 : index
    %get3A_39 = vector.load %arg2[%get3A_36, %get3A_37, %get3A_38] : memref<1x900x8xf32, #tpu.memory_space<vmem>>, vector<1x900x8xf32>
    %get3A_40 = vector.shape_cast %get3A_39 : vector<1x900x8xf32> to vector<900x8xf32>
    %dot_general3A = arith.constant dense<0.000000e+00> : vector<64x8xf32>
    %dot_general3A_41 = tpu.matmul %while3A_35#3, %get3A_40, %dot_general3A {dimension_numbers = #tpu.dot_dimension_numbers<[1], [0], [0], [1], [0, 0, 1, 1], [], []>, precision = #tpu.contract_precision<fp32>, transpose_lhs_hint = false} : vector<64x900xf32>, vector<900x8xf32>, vector<64x8xf32> -> vector<64x8xf32>
    %swap3A = arith.constant 0 : index
    %swap3A_42 = arith.constant 0 : index
    %swap3A_43 = arith.constant 0 : index
    %swap3A_44 = vector.load %arg4[%swap3A, %swap3A_42, %swap3A_43] : memref<1x64x8xf32, #tpu.memory_space<vmem>>, vector<1x64x8xf32>
    %swap3A_45 = vector.shape_cast %swap3A_44 : vector<1x64x8xf32> to vector<64x8xf32>
    %swap3A_46 = vector.shape_cast %dot_general3A_41 : vector<64x8xf32> to vector<1x64x8xf32>
    tpu.vector_store %arg4[%swap3A, %swap3A_42, %swap3A_43], %swap3A_46 {strides = array<i32>} : memref<1x64x8xf32, #tpu.memory_space<vmem>>, vector<1x64x8xf32>,
    %get3A_47 = arith.constant 0 : index
    %get3A_48 = arith.constant 0 : index
    %get3A_49 = arith.constant 0 : index
    %get3A_50 = vector.load %arg3[%get3A_47, %get3A_48, %get3A_49] : memref<1x900x1xf32, #tpu.memory_space<vmem>>, vector<1x900x1xf32>
    %get3A_51 = vector.shape_cast %get3A_50 : vector<1x900x1xf32> to vector<900x1xf32>
    %dot_general3A_52 = arith.constant dense<0.000000e+00> : vector<64x1xf32>
    %dot_general3A_53 = tpu.matmul %while3A_35#3, %get3A_51, %dot_general3A_52 {dimension_numbers = #tpu.dot_dimension_numbers<[1], [0], [0], [1], [0, 0, 1, 1], [], []>, precision = #tpu.contract_precision<fp32>, transpose_lhs_hint = false} : vector<64x900xf32>, vector<900x1xf32>, vector<64x1xf32> -> vector<64x1xf32>
    %swap3A_54 = arith.constant 0 : index
    %swap3A_55 = arith.constant 0 : index
    %swap3A_56 = arith.constant 0 : index
    %swap3A_57 = vector.load %arg5[%swap3A_54, %swap3A_55, %swap3A_56] : memref<1x64x1xf32, #tpu.memory_space<vmem>>, vector<1x64x1xf32>
    %swap3A_58 = vector.shape_cast %swap3A_57 : vector<1x64x1xf32> to vector<64x1xf32>
    %swap3A_59 = vector.shape_cast %dot_general3A_53 : vector<64x1xf32> to vector<1x64x1xf32>
    tpu.vector_store %arg5[%swap3A_54, %swap3A_55, %swap3A_56], %swap3A_59 {strides = array<i32>} : memref<1x64x1xf32, #tpu.memory_space<vmem>>, vector<1x64x1xf32>,
    return
  }
  func.func @transform_0(%arg0: i32) -> (i32, i32, i32) {
    %c0_i32 = arith.constant 0 : i32
    %c0_i32_0 = arith.constant 0 : i32
    %c0_i32_1 = arith.constant 0 : i32
    return %arg0, %c0_i32, %c0_i32_0 : i32, i32, i32
  }
  func.func @transform_1(%arg0: i32) -> (i32, i32, i32) {
    %c0_i32 = arith.constant 0 : i32
    %c0_i32_0 = arith.constant 0 : i32
    %c0_i32_1 = arith.constant 0 : i32
    return %arg0, %c0_i32, %c0_i32_0 : i32, i32, i32
  }
  func.func @transform_2(%arg0: i32) -> (i32, i32, i32) {
    %c0_i32 = arith.constant 0 : i32
    %c0_i32_0 = arith.constant 0 : i32
    %c0_i32_1 = arith.constant 0 : i32
    return %arg0, %c0_i32, %c0_i32_0 : i32, i32, i32
  }
  func.func @transform_3(%arg0: i32) -> (i32, i32, i32) {
    %c0_i32 = arith.constant 0 : i32
    %c0_i32_0 = arith.constant 0 : i32
    %c0_i32_1 = arith.constant 0 : i32
    return %arg0, %c0_i32, %c0_i32_0 : i32, i32, i32
  }
  func.func @transform_4(%arg0: i32) -> (i32, i32, i32) {
    %c0_i32 = arith.constant 0 : i32
    %c0_i32_0 = arith.constant 0 : i32
    %c0_i32_1 = arith.constant 0 : i32
    return %arg0, %c0_i32, %c0_i32_0 : i32, i32, i32
  }
}

</mosaic_0001>

<sc_bundles>
// kernel: gather_offload_async_start
scs
__scs_entry_jumppad:
0x0: {  	(pc) =	sbr.rel $0x88, $3  }
0x1: {  	(tag) =	ssettag $0x0;
	lr =	simm.s32 $0x1  }
0x2: {  	[smem:$0x3F96] =	sst lr;
	_ =	strace $0xD0000000  }
0x3: {  	_ = 	snop  }
0x4: {  	_ = 	snop  }
0x5: {  	_ = 	snop  }
0x6: {  	_ = 	snop  }
0x7: {  	_ = 	snop  }
__scs_overlays_trampoline_lowered:
0x8: {  	[smem:$0x3FA5] =	sst s0  }
0x9: {  	[smem:$0x3FA6] =	sst s1  }
0xa: {  	[smem:$0x3FA7] =	sst s2  }
0xb: {  	[smem:$0x3FA8] =	sst s3  }
0xc: {  	[smem:$0x3FA9] =	sst s4  }
0xd: {  	[smem:$0x3FAA] =	sst s5  }
0xe: {  	[smem:$0x3FAB] =	sst s6  }
0xf: {  	[smem:$0x3FAC] =	sst s7  }
0x10: {  	[smem:$0x3FAD] =	sst s8  }
0x11: {  	[smem:$0x3FAE] =	sst s9;
	s0 =	simm.s32 @!p0 $0x0  }
0x12: {  	s1 =	sld [smem:$0x3F94];
	s0 =	simm.s32 @p0 $0x1  }
0x13: {  	[smem:$0x3FAF] =	sst s0;
	s0 =	simm.s32 @!p1 $0x0  }
0x14: {  	s2 =	sld [smem:$0x3F93];
	s0 =	simm.s32 @p1 $0x1  }
0x15: {  	[smem:$0x3FB0] =	sst s0;
	s0 =	simm.s32 @!p2 $0x0  }
0x16: {  	s3 =	sld [smem:$0x3FDB];
	s0 =	simm.s32 @p2 $0x1  }
0x17: {  	s4 =	simm.s32 $0x1BF5;
	[smem:$0x3FB2] =	sst s0  }
0x18: {  	s0 =	sld [smem:$0x3F95];
	_ =	swait.ge [sflag:s4], $0x0  }
0x19: {  	s7 =	sld [smem:$0x3F96]  }
0x1a: {  	s8 =	sadd.s32 $0xFFFFE003, lr  }
0x1b: {  	s9 =	sadd.s32 $0xFFFFFEF7, lr;
	s5 =	simm.s32 $0xFFFFFFFF;
	p2 =	slt.u32 s8, $0xFFFFF086  }
0x1c: {  	p1 =	slt.u32 s9, $0xF7A;
	s5 =	simm.s32 @!p2 $0x0  }
0x1d: {  	s5 =	simm.s32 @p1 $0x1;
	p0 =	seq.s32 s7, s2  }
0x1e: {  	s7 =	smul.u32 @!p0 $0xF7A, s2;
	p2 =	seq.s32 @!p0 s5, $0x0  }
0x1f: {  	s9 =	smul.u32 $0xF7A, s1;
	s8 =	simm.s32 @!p0 $0x1BF5;
	p2 =	por !p2, p0  }
0x20: {  	[sflag:s8] =	ssyncset.s32 @!p0 $0xFFFFF086;
	s6 =	sadd.s32 @!p0 s3, s7;
	s7 =	simm.s32 @!p0 $0x108  }
0x21: {  	s3 =	sadd.s32 s3, s9;
	s6 =	sadd.s32 @!p0 $0x88, s6;
	s7 =	simm.s32 @p2 $0x1082  }
0x22: {  	[simem:s7], [sflag:s8] =	dma.local @!p0 [hbm:s6], $0xF7A  }
0x23: {  	s9 =	sor.u32 $0xD0000000, s2;
	s6 =	simm.s32 $0x108;
	_ =	swait.ge @!p0 [sflag:s8], $0x0  }
0x24: {  	s3 =	sadd.s32 $0x88, s3;
	s6 =	simm.s32 @!p1 $0x1082;
	[sflag:s4] =	ssyncset.s32 $0xFFFFF086  }
0x25: {  	[simem:s6], [sflag:s4] =	dma.local [hbm:s3], $0xF7A  }
0x26: {  	[smem:$0x3F96] =	sst s1;
	(tag) =	ssettag s2;
	_ =	strace s9  }
0x27: {  	s1 =	sld [smem:$0x3FA6]  }
0x28: {  	s2 =	sld [smem:$0x3FA7]  }
0x29: {  	s4 =	sld [smem:$0x3FA9]  }
0x2a: {  	p0 =	seq.s32 s5, $0x0;
	s5 =	sld [smem:$0x3FAA]  }
0x2b: {  	s6 =	sld [smem:$0x3FAB]  }
0x2c: {  	s7 =	sld [smem:$0x3FAC]  }
0x2d: {  	s3 =	simm.s32 $0x108;
	s8 =	sld [smem:$0x3FAD]  }
0x2e: {  	s3 =	simm.s32 @!p0 $0x1082;
	s9 =	sld [smem:$0x3FAE]  }
0x2f: {  	lr =	sadd.s32 s0, s3;
	s0 =	sld [smem:$0x3FA5]  }
0x30: {  	s3 =	sld [smem:$0x3FA8]  }
0x31: {  	[smem:$0x3FB1] =	sst s10  }
0x32: {  	s10 =	sld [smem:$0x3FAF];
	_ =	sdelay $0x3  }
0x33: {  	p0 =	seq.s32 s10, $0x1;
	s10 =	sld [smem:$0x3FB1];
	_ =	sdelay $0x3  }
0x34: {  	[smem:$0x3FB1] =	sst s10  }
0x35: {  	s10 =	sld [smem:$0x3FB0];
	_ =	sdelay $0x3  }
0x36: {  	p1 =	seq.s32 s10, $0x1;
	s10 =	sld [smem:$0x3FB1];
	_ =	sdelay $0x3  }
0x37: {  	[smem:$0x3FB1] =	sst s10  }
0x38: {  	s10 =	sld [smem:$0x3FB2]  }
0x39: {  	_ = 	snop;
	(pc) =	sbr.ind lr, $3  }
0x3a: {  	_ = 	snop  }
0x3b: {  	_ = 	snop  }
0x3c: {  	p2 =	seq.s32 s10, $0x1;
	s10 =	sld [smem:$0x3FB1]  }
0x3d: {  	_ =	shalt  }
0x3e: {  	_ =	shalt  }
0x3f: {  	_ =	shalt  }
0x40: {  	_ =	shalt  }
0x41: {  	_ =	shalt  }
0x42: {  	_ =	shalt  }
0x43: {  	_ =	shalt  }
0x44: {  	_ =	shalt  }
0x45: {  	_ =	shalt  }
0x46: {  	_ =	shalt  }
0x47: {  	_ =	shalt  }
0x48: {  	_ =	shalt  }
0x49: {  	_ =	shalt  }
0x4a: {  	_ =	shalt  }
0x4b: {  	_ =	shalt  }
0x4c: {  	_ =	shalt  }
0x4d: {  	_ =	shalt  }
0x4e: {  	_ =	shalt  }
0x4f: {  	_ =	shalt  }
0x50: {  	_ =	shalt  }
0x51: {  	_ =	shalt  }
0x52: {  	_ =	shalt  }
0x53: {  	_ =	shalt  }
0x54: {  	_ =	shalt  }
0x55: {  	_ =	shalt  }
0x56: {  	_ =	shalt  }
0x57: {  	_ =	shalt  }
0x58: {  	_ =	shalt  }
0x59: {  	_ =	shalt  }
0x5a: {  	_ =	shalt  }
0x5b: {  	_ =	shalt  }
0x5c: {  	_ =	shalt  }
0x5d: {  	_ =	shalt  }
0x5e: {  	_ =	shalt  }
0x5f: {  	_ =	shalt  }
0x60: {  	_ =	shalt  }
0x61: {  	_ =	shalt  }
0x62: {  	_ =	shalt  }
0x63: {  	_ =	shalt  }
0x64: {  	_ =	shalt  }
0x65: {  	_ =	shalt  }
0x66: {  	_ =	shalt  }
0x67: {  	_ =	shalt  }
0x68: {  	_ =	shalt  }
0x69: {  	_ =	shalt  }
0x6a: {  	_ =	shalt  }
0x6b: {  	_ =	shalt  }
0x6c: {  	_ =	shalt  }
0x6d: {  	_ =	shalt  }
0x6e: {  	_ =	shalt  }
0x6f: {  	_ =	shalt  }
0x70: {  	_ =	shalt  }
0x71: {  	_ =	shalt  }
0x72: {  	_ =	shalt  }
0x73: {  	_ =	shalt  }
0x74: {  	_ =	shalt  }
0x75: {  	_ =	shalt  }
0x76: {  	_ =	shalt  }
0x77: {  	_ =	shalt  }
0x78: {  	_ =	shalt  }
0x79: {  	_ =	shalt  }
0x7a: {  	_ =	shalt  }
0x7b: {  	_ =	shalt  }
0x7c: {  	_ =	shalt  }
0x7d: {  	_ =	shalt  }
0x7e: {  	_ =	shalt  }
0x7f: {  	_ =	shalt  }
0x80: {  	_ =	shalt  }
0x81: {  	_ =	shalt  }
0x82: {  	_ =	shalt  }
0x83: {  	_ =	shalt  }
0x84: {  	_ =	shalt  }
0x85: {  	_ =	shalt  }
0x86: {  	_ =	shalt  }
0x87: {  	_ =	shalt  }
.Lfunc_end0:
.L_simem_size_0:
called_computation_lowered:
.L_overlay_start_0:
0x88: {  	s2 =	sld [smem:$0x3FD9]  }
0x89: {  	s3 =	sld [smem:$0x3FFE];
	_ =	sdelay $0x1  }
0x8a: {  	s1 =	srdreg.scid  }
0x8b: {  	s0 =	sand.u32 $0x1, s1  }
0x8c: {  	s16 =	sshll.u32 s0, $0xA;
	s2 =	sadd.s32 s3, s2  }
0x8d: {  	s2 =	sadd.s32 s2, s16  }
0x8e: {  	[smem:$0x3FBD] =	sst s2  }
0x8f: {  	_ = 	snop  }
0x90: {  	(tm) =	ssettm $0x1  }
0x91: {  	s17 =	sld [smem:$0x3FFB];
	_ =	sdelay $0x3  }
0x92: {  	_ =	strace s17  }
0x93: {  	s2 =	sld [smem:$0x3FFC];
	_ =	sdelay $0x3  }
0x94: {  	_ =	strace s2  }
0x95: {  	s2 =	sld [smem:$0x3FFD];
	_ =	sdelay $0x3  }
0x96: {  	_ =	strace s2  }
0x97: {  	_ =	strace $0x8FFFFFFF  }
0x98: {  	s18 =	sld [smem:$0x3FDB];
	_ =	sdelay $0x1  }
0x99: {  	s19 =	simm.s32 $_scs_section_size  }
0x9a: {  	s4 =	simm.s32 $_size__tile_overlayer_lowered;
	s5 =	simm.s32 $_tile_overlayer_lowered  }
0x9b: {  	s22 =	simm.s32 $0x1BFF;
	s21 =	sshll.u32 s5, $0x1;
	s2 =	sadd.s32 s19, s18  }
0x9c: {  	s6 =	simm.s32 $0x0;
	s20 =	sshll.u32 s4, $0x1;
	s4 =	sadd.s32 s21, s2  }
0x9d: {  	[timem:s6], [sflag:s22] =	dma.local [hbm:s4], s20  }
0x9e: {  	_ =	swait.ge [sflag:s22], s20  }
0x9f: {  	s3 =	ssub.s32 $0x0, s20;
	[sflag:s22] =	ssyncset.done $0x0  }
0xa0: {  	[sflag:s22] =	ssyncadd.s32 s3;
	_ =	sdelay $0x1  }
0xa1: {  	s23 =	simm.s32 $0x1B8B  }
0xa2: {  	_ =	swait.ge [sflag:s23], $0x1  }
0xa3: {  	[sflag:s23] =	ssyncset.done $0x0  }
0xa4: {  	s25 =	simm.s32 $0x1B8E;
	s24 =	sld [smem:$0x3FFE];
	[sflag:s23] =	ssyncadd.s32 $0xFFFFFFFF  }
0xa5: {  	s26 =	simm.s32 $execute0_lowered;
	[smem:$0x3FD2] =	sst s25  }
0xa6: {  	s4 =	sshll.u32 s26, $0x1;
	_ =	strace $0x80000046;
	[dreg:$0x1] =	wrdreg $0xFFFFFFFF  }
0xa7: {  	s28 =	simm.s32 $_size_execute0_lowered;
	s2 =	sadd.s32 s2, s4;
	[dreg:$0x0] =	wrdreg $0x0  }
0xa8: {  	s4 =	sshll.u32 s28, $0x1;
	[dreg:$0x2] =	wrdreg s2  }
0xa9: {  	[dreg:$0x3] =	wrdreg s4  }
0xaa: {  	[dreg:$0x4] =	wrdreg $0xC0  }
0xab: {  	_ =	task [dreg:s6], $0x5FFFF  }
0xac: {  	[dreg:$0x1] =	wrdreg $0xFFFFFFFF  }
0xad: {  	[dreg:$0x0] =	wrdreg $0x60  }
0xae: {  	[dreg:$0x2] =	wrdreg s24  }
0xaf: {  	[dreg:$0x3] =	wrdreg $0x9  }
0xb0: {  	_ =	task.clear_ibuf [dreg:s6], $0x4FFFF;
	_ =	strace $0x90000046  }
0xb1: {  	s29 =	simm.s32 $0x9;
	_ =	strace $0x80000048  }
0xb2: {  	_ =	swait.ge [sflag:s29], $0x1  }
0xb3: {  	[sflag:s29] =	ssyncadd.s32 $0xFFFFFFFF  }
0xb4: {  	_ =	strace $0x90000048  }
0xb5: {  	_ =	sfence  }
0xb6: {  	s30 =	sld [smem:$0x0];
	_ =	sdelay $0x2  }
0xb7: {  	s31 =	sshll.u32 s1, $0xD;
	s1 =	sshrl.u32 s1, $0x2  }
0xb8: {  	s3 =	sand.u32 $0x4000, s31;
	s1 =	sadd.s32 s1, s30  }
0xb9: {  	s0 =	sor.u32 s3, s0;
	s1 =	sshll.u32 s1, $0x11  }
0xba: {  	s0 =	sor.u32 s1, s0  }
0xbb: {  	s0 =	sadd.s32 $0x8F2B, s0  }
0xbc: {  	[sflag:s0] =	ssyncadd.remote.s32 $0x1  }
0xbd: {  	_ =	sfence.sel $0xFFFF  }
0xbe: {  	[dreg:$0x0] =	wrdreg $0xFFFFFFFF;
	(pc) =	sbr.abs _section_cstart, $3  }
0xbf: {  	[dreg:$0x1] =	wrdreg $0xFFFFFFFF  }
0xc0: {  	_ =	task.clear_ibuf [dreg:s6], $0x2FFFF;
	_ =	strace $0x9FFFFFFF  }
0xc1: {  	(tm) =	ssettm $0x7FFFFFFF  }
tec
execute0_lowered:
.L_overlay_start_1:
0x0: {  	(tag) =	ssettag $0x1  }
0x1: {  	s0 =	srdreg.scid  }
0x2: {  	s1 =	sshll.u32 s0, $0x4  }
0x3: {  	s0 =	stileid.u32;
	s1 =	sand.u32 $0x10, s1  }
0x4: {  	s2 =	sor.u32 s0, s1  }
0x5: {  	s1 =	smin.u32 s2, $0x4  }
0x6: {  	s1 =	sadd.s32 s2, s1  }
0x7: {  	p0 =	slt.u32 s2, $0x4;
	s2 =	simm.s32 $0x190;
	s1 =	smul.u32 $0xC8, s1  }
0x8: {  	s2 =	simm.s32 @!p0 $0xC8  }
0x9: {  	s2 =	sadd.s32 s2, s1  }
0xa: {  	s3 =	smin.u32 s2, $0x1C20  }
0xb: {  	s7 =	ssub.s32 s3, s1  }
0xc: {  	p0 =	sgt.s32 s7, $0x0  }
0xd: {  	s7 =	simm.s32 @!p0 $0x0  }
0xe: {  	s31 =	sand.u32 $0xFFF8, s7  }
0xf: {  	s2 =	sshrl.u32 s31, $0x3  }
0x10: {  	s2 =	smul.u32 $0x147B, s2  }
0x11: {  	s4 =	rddreg [dreg:$0x0];
	s6 =	simm.s32 $0x1  }
0x12: {  	s10 =	simm.s32 $0x3;
	s13 =	simm.s32 $0x0;
	s8 =	sshrl.u32 s2, $0x11  }
0x13: {  	s12 =	simm.s32 $0x0;
	s5 =	sadd.s32 $0x400, s4;
	s9 =	smul.u32 $0xC8, s8  }
.Ltmp0:
0x14: {  	s11 =	smov.u32 s1;
	s2 =	rddreg [dreg:$0x1];
	(pc) =	sbr.rel .LBB2_1-.Ltmp0, $4  }
0x15: {  	_ =	strace $0x80000047;
	p0 =	sne.s32 s7, s9;
	s9 =	simm.s32 $0x1  }
0x16: {  	[sflag:s6] =	ssyncpa.u1 $0x0;
	s7 =	simm.s32 $0x2;
	s9 =	simm.s32 @!p0 $0x0  }
0x17: {  	[sflag:s7] =	ssyncpa.u1 $0x0;
	p0 =	por $0x0, $0x0;
	s8 =	sadd.s32 s8, s9  }
0x18: {  	vm0 =	vmmov $0xff;
	vm1 =	vcmask $0x3F20;
	s9 =	sadd.s32 $0x271400, s4;
	[sflag:s10] =	ssyncpa.u1 $0x0;
	s10 =	sadd.s32 $0x1, s8  }
.LBB2_6:
0x19: {  	[hbm:s17] =	stream.linear.scatter [tilespmem:s14], [sflag:$0x3], $0x400, $0x38;
	[tilespmem:$0xC990] =	vst v63  }
.LBB2_7:
0x1a: {  	s13 =	sadd.s32 $0xC8, s11  }
0x1b: {  	s15 =	smov.u32 s1;
	p2 =	slt.s32 s13, s3  }
0x1c: {  	s15 =	smov.u32 @p2 s13;
	p2 =	sne.s32 s12, s10  }
.Ltmp1:
0x1d: {  	p1 =	slt.u32 s12, $0x2;
	(pc) =	sbr.rel @!p2 .LBB2_8-.Ltmp1, $4  }
0x1e: {  	s14 =	simm.s32 @!p1 $0x3  }
0x1f: {  	s16 =	sadd.s32 $0x1, s12;
	_ =	swait.ge @!p1 [sflag:s14], $0x6400  }
0x20: {  	p0 =	por !p0, !p0;
	s13 =	smov.u32 s11;
	[sflag:s14] =	ssyncset.done @!p1 $0x0  }
0x21: {  	s12 =	smov.u32 s16;
	s11 =	smov.u32 s15;
	[sflag:s14] =	ssyncadd.s32 @!p1 $0xFFFF9C00  }
.LBB2_1:
0x22: {  	p1 =	sge.u32 s12, s8  }
0x23: {  	s14 =	sxor.u32 @!p1 $0xFFFFFFFF, s12  }
0x24: {  	s14 =	sand.u32 @!p1 $0x1, s14  }
0x25: {  	s14 =	smul.u32 @!p1 $0x320, s14  }
0x26: {  	s31 =	sadd.s32 $0xFFFFFFFF, s12;
	s15 =	sshrl.u32 @!p1 s11, $0x3  }
0x27: {  	s16 =	sand.u32 @!p1 $0x7, s11;
	s15 =	sadd.s32 @!p1 s4, s15;
	s14 =	sshrl.u32 @!p1 s14, $0x2  }
0x28: {  	[tilespmem:s14], [sflag:$0x2] =	stream.linear.gather @!p1 [hbm4b:s15+s16], $0xC8, $0x38;
	[tilespmem:$0xC990] =	vst v63  }
0x29: {  	p1 =	sge.u32 s31, s8  }
.Ltmp2:
0x2a: {  	_ = 	snop;
	(pc) =	sbr.rel @p1 .LBB2_7-.Ltmp2, $1  }
0x2b: {  	_ =	sdelay $0x3  }
0x2c: {  	s14 =	simm.s32 $0x1  }
0x2d: {  	s14 =	simm.s32 @!p0 $0x0  }
0x2e: {  	s15 =	smul.u32 $0x320, s14  }
0x2f: {  	_ =	swait.ge [sflag:s7], $0xC8  }
0x30: {  	[sflag:s7] =	ssyncset.done $0x0;
	s17 =	sshrl.u32 s15, $0x2  }
0x31: {  	[sflag:s7] =	ssyncadd.s32 $0xFFFFFF38;
	s15 =	sadd.s32 $0x0, s17  }
0x32: {  	v0 =	vld.msk [tilespmem:s15+$0x0 ss:$0x1], $0xffff;
	_ =	sdelay $0x4  }
0x33: {  	v1 =	vand.u32 $0x7, v0;
	v2 =	vshll.u32 v0, $0x4  }
0x34: {  	vm2 =	veq.s32 v0, $0x80000000;
	v0 =	vmul.u32 $0x271000, v1;
	v1 =	vand.u32 $0x3FFF80, v2  }
0x35: {  	v1 =	vsel vm2, $0xFFFFFF80, v1  }
0x36: {  	v0 =	vsel vm2, $0xFFD8F000, v0;
	v2 =	vand.u32 $0xFFFFFC00, v1  }
0x37: {  	v1 =	vand.u32 $0x380, v1;
	v0 =	vadd.s32 v0, v2  }
0x38: {  	v0 =	vor.u32 v1, v0  }
0x39: {  	v0 =	vshrl.u32 v0, $0x3  }
0x3a: {  	s14 =	smul.u32 $0x19000, s14  }
0x3b: {  	s31 =	sand.u32 $0x1, s12  }
0x3c: {  	s16 =	smul.u32 $0x320, s31;
	s14 =	sshrl.u32 s14, $0x2  }
0x3d: {  	s19 =	smul.u32 $0x19000, s31;
	s14 =	sor.u32 $0x190, s14  }
0x3e: {  	[tilespmem:s14], [sflag:$0x1] =	stream.indirect_vreg.gather [hbm:s5], $0x80, v0, vm0, $0x38;
	[tilespmem:$0xC990] =	vst v63  }
0x3f: {  	s18 =	sshrl.u32 s16, $0x2;
	s20 =	sadd.s32 $0x10, s17;
	s15 =	sadd.s32 $0x400, s14  }
0x40: {  	[tilespmem:s15], [sflag:$0x1] =	stream.indirect_vreg.gather [hbm:s5], $0x80, v0, vm1, $0x38;
	[tilespmem:$0xC990] =	vst v63  }
0x41: {  	s16 =	sshrl.u32 s19, $0x2;
	s19 =	smov.u32 s14;
	v0 =	vld.msk [tilespmem:s20+$0x0 ss:$0x1], $0xffff;
	s20 =	simm.s32 $0x80  }
.LBB2_3:
0x42: {  	p1 =	sne.s32 s20, $0x2C0;
	_ =	sdelay $0x4  }
0x43: {  	v1 =	vand.u32 $0x7, v0;
	v2 =	vshll.u32 v0, $0x4  }
0x44: {  	vm2 =	veq.s32 v0, $0x80000000;
	v0 =	vmul.u32 $0x271000, v1;
	v1 =	vand.u32 $0x3FFF80, v2  }
0x45: {  	v1 =	vsel vm2, $0xFFFFFF80, v1  }
0x46: {  	v0 =	vsel vm2, $0xFFD8F000, v0;
	v2 =	vand.u32 $0xFFFFFC00, v1  }
0x47: {  	v1 =	vand.u32 $0x380, v1;
	v0 =	vadd.s32 v0, v2  }
0x48: {  	v0 =	vor.u32 v1, v0  }
0x49: {  	v0 =	vshrl.u32 v0, $0x3;
	_ =	sdelay $0x3  }
.Ltmp3:
0x4a: {  	s21 =	sshra.s32 s20, $0x2;
	s19 =	sadd.s32 $0x800, s19;
	(pc) =	sbr.rel @p1 .LBB2_3-.Ltmp3, $4  }
0x4b: {  	[tilespmem:s19], [sflag:$0x1] =	stream.indirect_vreg.gather [hbm:s5], $0x80, v0, vm0, $0x38;
	[tilespmem:$0xC990] =	vst v63  }
0x4c: {  	s21 =	sadd.s32 s21, s17;
	s22 =	sadd.s32 $0x400, s19  }
0x4d: {  	[tilespmem:s22], [sflag:$0x1] =	stream.indirect_vreg.gather [hbm:s5], $0x80, v0, vm1, $0x38;
	[tilespmem:$0xC990] =	vst v63  }
0x4e: {  	s20 =	sadd.s32 $0x40, s20;
	v0 =	vld.msk [tilespmem:s21+$0x0 ss:$0x1], $0xffff  }
0x4f: {  	_ =	sdelay $0x3  }
0x50: {  	v1 =	vand.u32 $0x7, v0;
	v2 =	vshll.u32 v0, $0x4  }
0x51: {  	vm2 =	veq.s32 v0, $0x80000000;
	v56 =	vmul.u32 $0x271000, v1;
	v57 =	vand.u32 $0x3FFF80, v2  }
0x52: {  	v1 =	vsel vm2, $0xFFFFFF80, v57  }
0x53: {  	v0 =	vsel vm2, $0xFFD8F000, v56;
	v58 =	vand.u32 $0xFFFFFC00, v1  }
0x54: {  	v1 =	vand.u32 $0x380, v1;
	v0 =	vadd.s32 v0, v58  }
0x55: {  	v0 =	vor.u32 v1, v0  }
0x56: {  	v0 =	vshrl.u32 v0, $0x3;
	_ =	sdelay $0x3  }
0x57: {  	s17 =	sadd.s32 $0x800, s19  }
0x58: {  	[tilespmem:s17], [sflag:$0x1] =	stream.indirect_vreg.gather [hbm:s5], $0x80, v0, vm0, $0x38;
	[tilespmem:$0xC990] =	vst v63  }
0x59: {  	s17 =	sadd.s32 $0x400, s17  }
0x5a: {  	[tilespmem:s17], [sflag:$0x1] =	stream.indirect_vreg.gather [hbm:s5], $0x80, v0, vm1, $0x38;
	[tilespmem:$0xC990] =	vst v63  }
0x5b: {  	v0 =	vld.msk [tilespmem:s18+$0xC0 ss:$0x1], $0xff;
	_ =	sdelay $0x4  }
0x5c: {  	v59 =	vand.u32 $0x7, v0;
	v60 =	vshll.u32 v0, $0x4  }
0x5d: {  	vm2 =	veq.s32 v0, $0x80000000;
	v61 =	vmul.u32 $0x271000, v59;
	v62 =	vand.u32 $0x3FFF80, v60  }
0x5e: {  	v1 =	vsel vm2, $0xFFFFFF80, v62  }
0x5f: {  	v0 =	vsel vm2, $0xFFD8F000, v61;
	v63 =	vand.u32 $0xFFFFFC00, v1  }
0x60: {  	v1 =	vand.u32 $0x380, v1;
	v0 =	vadd.s32 v0, v63  }
0x61: {  	v0 =	vor.u32 v1, v0  }
0x62: {  	v0 =	vshrl.u32 v0, $0x3;
	_ =	sdelay $0x3  }
0x63: {  	s16 =	sadd.s32 $0x6190, s16  }
0x64: {  	[tilespmem:s16], [sflag:$0x1] =	stream.indirect_vreg.gather [hbm:s5], $0x80, v0, vm0, $0x38;
	[tilespmem:$0xC990] =	vst v63  }
0x65: {  	s13 =	sshll.u32 s13, $0x4;
	_ =	swait.ge [sflag:s6], $0x6400  }
0x66: {  	s13 =	sadd.s32 s13, s9;
	[sflag:s6] =	ssyncset.done $0x0  }
0x67: {  	s17 =	sadd.s32 $0x0, s13;
	s16 =	simm.s32 $0x80;
	[sflag:s6] =	ssyncadd.s32 $0xFFFF9C00  }
.LBB2_5:
0x68: {  	[hbm:s17] =	stream.linear.scatter [tilespmem:s14], [sflag:$0x3], $0x400, $0x38;
	[tilespmem:$0xC990] =	vst v63  }
0x69: {  	s17 =	smov.u32 s16;
	s14 =	smov.u32 s15;
	p1 =	sne.s32 s16, $0xC00  }
.Ltmp4:
0x6a: {  	s16 =	sadd.s32 $0x80, s16;
	(pc) =	sbr.rel @p1 .LBB2_5-.Ltmp4, $2  }
0x6b: {  	_ =	sdelay $0x2  }
0x6c: {  	s15 =	sadd.s32 $0x400, s15;
	s17 =	sadd.s32 s17, s13  }
.Ltmp5:
0x6d: {  	_ = 	snop;
	(pc) =	sbr.rel .LBB2_6-.Ltmp5, $1  }
0x6e: {  	_ =	sdelay $0x3  }
.LBB2_8:
0x6f: {  	_ =	sfence.sel $0x180000  }
0x70: {  	s1 =	simm.s32 $0x2;
	[bflag:$0x0] =	sbarrier.arrive $0xFFFF  }
0x71: {  	s30 =	simm.s32 $0x3;
	[sflag:s1] =	ssyncpa.u1 $0x1  }
0x72: {  	s31 =	simm.s32 $0x1;
	[sflag:s30] =	ssyncpa.u1 $0x1  }
0x73: {  	[sflag:s31] =	ssyncpa.u1 $0x1  }
0x74: {  	p0 =	sne.s32 s0, $0x0;
	_ =	strace $0x90000047  }
0x75: {  	s0 =	sadd.s32 @!p0 $0x100000, s2;
	[bflag:$0x2] =	sbarrier.arrive $0xFFFF  }
0x76: {  	[sflag:s0] =	ssyncadd.tile.s32 @!p0 $0x1;
	_ =	shalt  }
.Lfunc_end2:
_tile_overlayer_lowered:
.L_overlay_start_2:
0x77: {  	(tag) =	ssettag $0x2  }
0x78: {  	s0 =	rddreg [dreg:$0x0];
	s2 =	stileid.u32  }
0x79: {  	s1 =	rddreg [dreg:$0x1];
	p0 =	sne.s32 s2, $0x0  }
0x7a: {  	s3 =	rddreg [dreg:$0x2];
	[bflag:$0x3] =	sbarrier.arrive $0xFFFF;
	s2 =	simm.s32 @!p0 $0x1C01  }
0x7b: {  	[timem:s3], [sflag:s2] =	dma.local @!p0 [hbm:s0], s1  }
0x7c: {  	s0 =	simm.s32 @!p0 $0x1  }
0x7d: {  	_ =	swait.ge @!p0 [sflag:s0], s1  }
0x7e: {  	s1 =	ssub.s32 @!p0 $0x0, s1;
	[sflag:s0] =	ssyncset.done @!p0 $0x0  }
0x7f: {  	[sflag:s0] =	ssyncadd.s32 @!p0 s1  }
0x80: {  	[bflag:$0x3] =	sbarrier.arrive $0xFFFF  }
0x81: {  	_ =	shalt  }

</sc_bundles>
